<compile_context>
chip_gen: v7x
topology: tpu7x:2x2x1
jax: 0.10.2.dev20260603
libtpu: 0.0.44.dev20260713+nightly
codegen_flags: <defaults>
</compile_context>

<pallas_src>
import jax
import jax.numpy as jnp
from jax import lax
from jax.experimental import pallas as pl
from jax.experimental.pallas import tpu as pltpu
from jax.experimental.pallas import tpu_sc as plsc

_L = 768
_D = 256
_K = 8192
_Tb = 1024
_EPS = 1e-8


def _vq_body(tok_ref, w_ref, b_ref, cb_ref, idx_ref, xn_out_ref,
             cbn_ref, sim_ref):
    i = pl.program_id(0)

    @pl.when(i == 0)
    def _():
        cb = cb_ref[...]
        nrm = jnp.sqrt(jnp.sum(cb * cb, axis=1, keepdims=True))
        cbn_ref[...] = cb / (nrm + _EPS)

    h = jnp.dot(tok_ref[...], w_ref[...],
                preferred_element_type=jnp.float32) + b_ref[...]
    nrm = jnp.sqrt(jnp.sum(h * h, axis=1, keepdims=True))
    xn_out_ref[...] = h / (nrm + _EPS)

    sim_ref[...] = lax.dot_general(
        xn_out_ref[...], cbn_ref[...],
        (((1,), (1,)), ((), ())), preferred_element_type=jnp.float32)

    aml = jnp.argmax(sim_ref[...], axis=1).astype(jnp.int32)
    idx_ref[...] = aml.reshape(idx_ref.shape)


def _vq_head(tokens, W, b, cb):
    n = tokens.shape[0]
    grid_i = n // _Tb
    idx3, xn = pl.pallas_call(
        _vq_body,
        grid=(grid_i,),
        in_specs=[
            pl.BlockSpec((_Tb, _L), lambda i: (i, 0)),
            pl.BlockSpec((_L, _D), lambda i: (0, 0)),
            pl.BlockSpec((1, _D), lambda i: (0, 0)),
            pl.BlockSpec((_K, _D), lambda i: (0, 0)),
        ],
        out_specs=[
            pl.BlockSpec((1, 1, _Tb), lambda i: (i, 0, 0)),
            pl.BlockSpec((_Tb, _D), lambda i: (i, 0)),
        ],
        out_shape=[
            jax.ShapeDtypeStruct((grid_i, 1, _Tb), jnp.int32),
            jax.ShapeDtypeStruct((n, _D), jnp.float32),
        ],
        scratch_shapes=[
            pltpu.VMEM((_K, _D), jnp.float32),
            pltpu.VMEM((_Tb, _K), jnp.float32),
        ],
    )(tokens, W, b.reshape(1, _D), cb)
    return idx3.reshape(-1), xn


def _sc_gather2(cb_i, cb_d, idx_i, idx_d):
    info = plsc.get_sparse_core_info()
    nw = info.num_cores * info.num_subcores
    n = idx_i.shape[0]
    bpw = n // nw
    mesh = plsc.VectorSubcoreMesh(core_axis_name="c", subcore_axis_name="s")

    def body(cbi_hbm, cbd_hbm, idxi_hbm, idxd_hbm, qi_hbm, qd_hbm,
             iv1, rv1, iv2, rv2, sem):
        wid = lax.axis_index("s") * info.num_cores + lax.axis_index("c")
        base = wid * bpw
        pltpu.sync_copy(idxi_hbm.at[pl.ds(base, bpw)], iv1)
        h1 = pltpu.async_copy(cbi_hbm.at[iv1], rv1, sem)
        pltpu.sync_copy(idxd_hbm.at[pl.ds(base, bpw)], iv2)
        h2 = pltpu.async_copy(cbd_hbm.at[iv2], rv2, sem)
        h1.wait()
        pltpu.sync_copy(rv1, qi_hbm.at[pl.ds(base, bpw)])
        h2.wait()
        pltpu.sync_copy(rv2, qd_hbm.at[pl.ds(base, bpw)])

    return pl.kernel(
        body, mesh=mesh,
        out_type=[jax.ShapeDtypeStruct((n, _D), jnp.float32),
                  jax.ShapeDtypeStruct((n, _D), jnp.float32)],
        scratch_types=[
            pltpu.VMEM((bpw,), jnp.int32),
            pltpu.VMEM((bpw, _D), jnp.float32),
            pltpu.VMEM((bpw,), jnp.int32),
            pltpu.VMEM((bpw, _D), jnp.float32),
            pltpu.SemaphoreType.DMA,
        ],
    )(cb_i, cb_d, idx_i, idx_d)


def _dec_body(qi_ref, qd_ref, xi_ref, xd_ref, wd_ref, bd_ref,
              out_ref, li_ref, ld_ref):
    i = pl.program_id(0)
    qi = qi_ref[...]
    qi = qi / (jnp.sqrt(jnp.sum(qi * qi, axis=1, keepdims=True)) + _EPS)
    qd = qd_ref[...]
    qd = qd / (jnp.sqrt(jnp.sum(qd * qd, axis=1, keepdims=True)) + _EPS)
    acc = jnp.dot(qi, wd_ref[0:_D, :], preferred_element_type=jnp.float32)
    acc = acc + jnp.dot(qd, wd_ref[_D:2 * _D, :],
                        preferred_element_type=jnp.float32)
    out_ref[...] = acc + bd_ref[...]

    di = qi - xi_ref[...]
    dd = qd - xd_ref[...]
    ti = jnp.sum(di * di).reshape(1, 1)
    td = jnp.sum(dd * dd).reshape(1, 1)

    @pl.when(i == 0)
    def _():
        li_ref[...] = ti
        ld_ref[...] = td

    @pl.when(i != 0)
    def _():
        li_ref[...] = li_ref[...] + ti
        ld_ref[...] = ld_ref[...] + td

    @pl.when(i == pl.num_programs(0) - 1)
    def _():
        n_tok = pl.num_programs(0) * out_ref.shape[0]
        scale = 0.25 / (n_tok * _D)
        li_ref[...] = scale * li_ref[...]
        ld_ref[...] = scale * ld_ref[...]


def _decoder(q_inv, q_dep, xn_inv, xn_dep, W_dec, b_dec):
    n = q_inv.shape[0]
    blk = 512
    z, li, ld = pl.pallas_call(
        _dec_body,
        grid=(n // blk,),
        in_specs=[
            pl.BlockSpec((blk, _D), lambda i: (i, 0)),
            pl.BlockSpec((blk, _D), lambda i: (i, 0)),
            pl.BlockSpec((blk, _D), lambda i: (i, 0)),
            pl.BlockSpec((blk, _D), lambda i: (i, 0)),
            pl.BlockSpec((2 * _D, _L), lambda i: (0, 0)),
            pl.BlockSpec((1, _L), lambda i: (0, 0)),
        ],
        out_specs=[
            pl.BlockSpec((blk, _L), lambda i: (i, 0)),
            pl.BlockSpec((1, 1), lambda i: (0, 0)),
            pl.BlockSpec((1, 1), lambda i: (0, 0)),
        ],
        out_shape=[
            jax.ShapeDtypeStruct((n, _L), jnp.float32),
            jax.ShapeDtypeStruct((1, 1), jnp.float32),
            jax.ShapeDtypeStruct((1, 1), jnp.float32),
        ],
    )(q_inv, q_dep, xn_inv, xn_dep, W_dec, b_dec.reshape(1, _L))
    return z, li[0, 0], ld[0, 0]


def kernel(h_inv_tokens, h_dep_tokens, W_inv, b_inv, W_dep, b_dep,
           cb_inv, cb_dep, W_dec, b_dec):
    B, T, L = h_inv_tokens.shape
    n = B * T
    ti = h_inv_tokens.reshape(n, L)
    td = h_dep_tokens.reshape(n, L)

    idx_i, xn_i = _vq_head(ti, W_inv, b_inv, cb_inv)
    idx_d, xn_d = _vq_head(td, W_dep, b_dep, cb_dep)
    q_i, q_d = _sc_gather2(cb_inv, cb_dep, idx_i, idx_d)

    z, loss_i, loss_d = _decoder(q_i, q_d, xn_i, xn_d, W_dec, b_dec)
    z = z.reshape(B, T, L)
    return z, loss_i, loss_d, idx_i.reshape(B, T), idx_d.reshape(B, T)

# --- scband reference (transcript-rebuilt; emitter-appended) ---
"""Pipeline reference for scband-invariant-dependent-splatter-vae-84086869721266 (READ-ONLY COPY).

The authoritative reference and input builder live on the scoring server;
editing this copy changes nothing except your own understanding.
"""

import jax, jax.numpy as jnp
import numpy as np


def _l2norm(t, eps=1e-8):
    return t / (jnp.linalg.norm(t, axis=-1, keepdims=True) + eps)


def _cosine_vq(x, codebook, beta):
    # cosine-sim VQ as in lucidrains VectorQuantize(use_cosine_sim=True)
    x_n = _l2norm(x)
    cb_n = _l2norm(codebook)
    sim = jnp.einsum('btd,kd->btk', x_n, cb_n)
    idx = jnp.argmax(sim, axis=-1)
    q = jnp.take(cb_n, idx, axis=0)
    commit = beta * jnp.mean((jax.lax.stop_gradient(q) - x_n) ** 2)
    # straight-through estimator
    q_st = x_n + jax.lax.stop_gradient(q - x_n)
    return q_st, idx, commit


def setup_inputs(seed: int = 0) -> dict:
    key = jax.random.key(seed)
    ks = jax.random.split(key, 8)
    B, T, L = 16, 256, 768   # batch, latent tokens per frame, swin latent dim (embed_dim*8)
    D, K = 256, 8192         # codebook embed dim, codebook size
    return {
        'h_inv_tokens': jax.random.normal(ks[0], (B, T, L), jnp.float32),
        'h_dep_tokens': jax.random.normal(ks[1], (B, T, L), jnp.float32),
        'W_inv': jax.random.normal(ks[2], (L, D), jnp.float32) * 0.02,
        'b_inv': jnp.zeros((D,), jnp.float32),
        'W_dep': jax.random.normal(ks[3], (L, D), jnp.float32) * 0.02,
        'b_dep': jnp.zeros((D,), jnp.float32),
        'cb_inv': jax.random.normal(ks[4], (K, D), jnp.float32),
        'cb_dep': jax.random.normal(ks[5], (K, D), jnp.float32),
        'W_dec': jax.random.normal(ks[6], (2 * D, L), jnp.float32) * 0.02,
        'b_dec': jnp.zeros((L,), jnp.float32),
    }


def reference(h_inv_tokens, h_dep_tokens, W_inv, b_inv, W_dep, b_dep, cb_inv, cb_dep, W_dec, b_dec):
    beta = 0.25
    # encoder output projections
    h_inv = h_inv_tokens @ W_inv + b_inv
    h_dep = h_dep_tokens @ W_dep + b_dep
    # cosine-sim vector quantization heads
    z_inv, idx_inv, loss_inv = _cosine_vq(h_inv, cb_inv, beta)
    z_dep, idx_dep, loss_dep = _cosine_vq(h_dep, cb_dep, beta)
    # fusion_style='cat' then decoder input projection back to latent_dim
    fused = jnp.concatenate([z_inv, z_dep], axis=-1)
    z_out = fused @ W_dec + b_dec
    return z_out, loss_inv, loss_dep, idx_inv, idx_dep

if __name__ == "__main__":
    import jax
    _d = setup_inputs()
    print(jax.jit(kernel)(*tuple(_d.values())))

</pallas_src>

<mosaic_0001>
#map = affine_map<(d0, d1) -> (0, 0)>
#map1 = affine_map<(d0, d1) -> (0)>
module attributes {stable_mosaic.version = 14 : i64} {
  func.func @body(%arg0: i32, %arg1: i32, %arg2: memref<8192x256xf32, #tpu.memory_space<hbm>>, %arg3: memref<8192x256xf32, #tpu.memory_space<hbm>>, %arg4: memref<4096xi32, #tpu.memory_space<hbm>>, %arg5: memref<4096xi32, #tpu.memory_space<hbm>>, %arg6: memref<4096x256xf32, #tpu.memory_space<hbm>>, %arg7: memref<4096x256xf32, #tpu.memory_space<hbm>>, %arg8: memref<128xi32, #tpu.memory_space<vmem>>, %arg9: memref<128x256xf32, #tpu.memory_space<vmem>>, %arg10: memref<128xi32, #tpu.memory_space<vmem>>, %arg11: memref<128x256xf32, #tpu.memory_space<vmem>>, %arg12: memref<!tpu.dma_semaphore, #tpu.memory_space<semaphore_mem>>) attributes {dimension_semantics = [#tpu.dimension_semantics<core_parallel>, #tpu.dimension_semantics<subcore_parallel>], iteration_bounds = array<i64: 2, 16>, scalar_prefetch = 0 : i64, scratch_operands = 5 : i64, tpu.core_type = #tpu.core_type<sc_vector_subcore>, window_params = [{transform_indices = #map}, {transform_indices = #map}, {transform_indices = #map1}, {transform_indices = #map1}, {transform_indices = #map}, {transform_indices = #map}]} {
    %mul3A = arith.constant 2 : i32
    %mul3A_0 = arith.muli %arg1, %mul3A : i32
    %add3A = arith.addi %mul3A_0, %arg0 : i32
    %mul3A_1 = arith.constant 128 : i32
    %mul3A_2 = arith.muli %add3A, %mul3A_1 : i32
    "tpu.region"() ({
      %run_scoped3A = tpu.sem_alloc : memref<!tpu.dma_semaphore, #tpu.memory_space<semaphore_mem>>
      %dma_start3A_13 = tpu.memref_slice %arg4[%mul3A_2] : memref<4096xi32, #tpu.memory_space<hbm>> -> memref<128xi32, #tpu.memory_space<hbm>>
      %dma_start3A_14 = tpu.memref_slice %arg4[%mul3A_2] : memref<4096xi32, #tpu.memory_space<hbm>> -> memref<128xi32, #tpu.memory_space<hbm>>
      tpu.enqueue_dma source(%dma_start3A_14 : memref<128xi32, #tpu.memory_space<hbm>>) target(%arg8 : memref<128xi32, #tpu.memory_space<vmem>>) target_semaphore(%run_scoped3A : memref<!tpu.dma_semaphore, #tpu.memory_space<semaphore_mem>>)
      %dma_wait3A_15 = tpu.memref_slice %arg4[%mul3A_2] : memref<4096xi32, #tpu.memory_space<hbm>> -> memref<128xi32, #tpu.memory_space<hbm>>
      %dma_wait3A_16 = tpu.memref_slice %arg4[%mul3A_2] : memref<4096xi32, #tpu.memory_space<hbm>> -> memref<128xi32, #tpu.memory_space<hbm>>
      tpu.wait_dma2 semaphore(%run_scoped3A : memref<!tpu.dma_semaphore, #tpu.memory_space<semaphore_mem>>) src(%dma_wait3A_16 : memref<128xi32, #tpu.memory_space<hbm>>) dst(%arg8 : memref<128xi32, #tpu.memory_space<vmem>>)
      tpu.yield
    }) : () -> ()
    %dma_start3A = arith.constant 0 : i32
    %dma_start3A_3 = arith.constant 0 : i32
    %dma_start3A_4 = tpu.memref_slice %arg2[%dma_start3A, %dma_start3A_3] : memref<8192x256xf32, #tpu.memory_space<hbm>> -> memref<8192x256xf32, #tpu.memory_space<hbm>>
    tpu.enqueue_indirect_dma source(%dma_start3A_4 : memref<8192x256xf32, #tpu.memory_space<hbm>>) target(%arg9 : memref<128x256xf32, #tpu.memory_space<vmem>>) offsets(%arg8 : memref<128xi32, #tpu.memory_space<vmem>>) semaphore(%arg12 : memref<!tpu.dma_semaphore, #tpu.memory_space<semaphore_mem>>)
    "tpu.region"() ({
      %run_scoped3A = tpu.sem_alloc : memref<!tpu.dma_semaphore, #tpu.memory_space<semaphore_mem>>
      %dma_start3A_13 = tpu.memref_slice %arg5[%mul3A_2] : memref<4096xi32, #tpu.memory_space<hbm>> -> memref<128xi32, #tpu.memory_space<hbm>>
      %dma_start3A_14 = tpu.memref_slice %arg5[%mul3A_2] : memref<4096xi32, #tpu.memory_space<hbm>> -> memref<128xi32, #tpu.memory_space<hbm>>
      tpu.enqueue_dma source(%dma_start3A_14 : memref<128xi32, #tpu.memory_space<hbm>>) target(%arg10 : memref<128xi32, #tpu.memory_space<vmem>>) target_semaphore(%run_scoped3A : memref<!tpu.dma_semaphore, #tpu.memory_space<semaphore_mem>>)
      %dma_wait3A_15 = tpu.memref_slice %arg5[%mul3A_2] : memref<4096xi32, #tpu.memory_space<hbm>> -> memref<128xi32, #tpu.memory_space<hbm>>
      %dma_wait3A_16 = tpu.memref_slice %arg5[%mul3A_2] : memref<4096xi32, #tpu.memory_space<hbm>> -> memref<128xi32, #tpu.memory_space<hbm>>
      tpu.wait_dma2 semaphore(%run_scoped3A : memref<!tpu.dma_semaphore, #tpu.memory_space<semaphore_mem>>) src(%dma_wait3A_16 : memref<128xi32, #tpu.memory_space<hbm>>) dst(%arg10 : memref<128xi32, #tpu.memory_space<vmem>>)
      tpu.yield
    }) : () -> ()
    %dma_start3A_5 = arith.constant 0 : i32
    %dma_start3A_6 = arith.constant 0 : i32
    %dma_start3A_7 = tpu.memref_slice %arg3[%dma_start3A_5, %dma_start3A_6] : memref<8192x256xf32, #tpu.memory_space<hbm>> -> memref<8192x256xf32, #tpu.memory_space<hbm>>
    tpu.enqueue_indirect_dma source(%dma_start3A_7 : memref<8192x256xf32, #tpu.memory_space<hbm>>) target(%arg11 : memref<128x256xf32, #tpu.memory_space<vmem>>) offsets(%arg10 : memref<128xi32, #tpu.memory_space<vmem>>) semaphore(%arg12 : memref<!tpu.dma_semaphore, #tpu.memory_space<semaphore_mem>>)
    %dma_wait3A = arith.constant 0 : i32
    %dma_wait3A_8 = arith.constant 0 : i32
    %dma_wait3A_9 = tpu.memref_slice %arg2[%dma_wait3A, %dma_wait3A_8] : memref<8192x256xf32, #tpu.memory_space<hbm>> -> memref<8192x256xf32, #tpu.memory_space<hbm>>
    tpu.wait_indirect_dma semaphore(%arg12 : memref<!tpu.dma_semaphore, #tpu.memory_space<semaphore_mem>>) src(%dma_wait3A_9 : memref<8192x256xf32, #tpu.memory_space<hbm>>) dst(%arg9 : memref<128x256xf32, #tpu.memory_space<vmem>>)
    "tpu.region"() ({
      %run_scoped3A = tpu.sem_alloc : memref<!tpu.dma_semaphore, #tpu.memory_space<semaphore_mem>>
      %dma_start3A_13 = arith.constant 0 : i32
      %dma_start3A_14 = tpu.memref_slice %arg6[%mul3A_2, %dma_start3A_13] : memref<4096x256xf32, #tpu.memory_space<hbm>> -> memref<128x256xf32, #tpu.memory_space<hbm>>
      %dma_start3A_15 = arith.constant 0 : i32
      %dma_start3A_16 = tpu.memref_slice %arg6[%mul3A_2, %dma_start3A_15] : memref<4096x256xf32, #tpu.memory_space<hbm>> -> memref<128x256xf32, #tpu.memory_space<hbm>>
      tpu.enqueue_dma source(%arg9 : memref<128x256xf32, #tpu.memory_space<vmem>>) target(%dma_start3A_16 : memref<128x256xf32, #tpu.memory_space<hbm>>) target_semaphore(%run_scoped3A : memref<!tpu.dma_semaphore, #tpu.memory_space<semaphore_mem>>)
      %dma_wait3A_17 = arith.constant 0 : i32
      %dma_wait3A_18 = tpu.memref_slice %arg6[%mul3A_2, %dma_wait3A_17] : memref<4096x256xf32, #tpu.memory_space<hbm>> -> memref<128x256xf32, #tpu.memory_space<hbm>>
      %dma_wait3A_19 = arith.constant 0 : i32
      %dma_wait3A_20 = tpu.memref_slice %arg6[%mul3A_2, %dma_wait3A_19] : memref<4096x256xf32, #tpu.memory_space<hbm>> -> memref<128x256xf32, #tpu.memory_space<hbm>>
      tpu.wait_dma2 semaphore(%run_scoped3A : memref<!tpu.dma_semaphore, #tpu.memory_space<semaphore_mem>>) src(%arg9 : memref<128x256xf32, #tpu.memory_space<vmem>>) dst(%dma_wait3A_20 : memref<128x256xf32, #tpu.memory_space<hbm>>)
      tpu.yield
    }) : () -> ()
    %dma_wait3A_10 = arith.constant 0 : i32
    %dma_wait3A_11 = arith.constant 0 : i32
    %dma_wait3A_12 = tpu.memref_slice %arg3[%dma_wait3A_10, %dma_wait3A_11] : memref<8192x256xf32, #tpu.memory_space<hbm>> -> memref<8192x256xf32, #tpu.memory_space<hbm>>
    tpu.wait_indirect_dma semaphore(%arg12 : memref<!tpu.dma_semaphore, #tpu.memory_space<semaphore_mem>>) src(%dma_wait3A_12 : memref<8192x256xf32, #tpu.memory_space<hbm>>) dst(%arg11 : memref<128x256xf32, #tpu.memory_space<vmem>>)
    "tpu.region"() ({
      %run_scoped3A = tpu.sem_alloc : memref<!tpu.dma_semaphore, #tpu.memory_space<semaphore_mem>>
      %dma_start3A_13 = arith.constant 0 : i32
      %dma_start3A_14 = tpu.memref_slice %arg7[%mul3A_2, %dma_start3A_13] : memref<4096x256xf32, #tpu.memory_space<hbm>> -> memref<128x256xf32, #tpu.memory_space<hbm>>
      %dma_start3A_15 = arith.constant 0 : i32
      %dma_start3A_16 = tpu.memref_slice %arg7[%mul3A_2, %dma_start3A_15] : memref<4096x256xf32, #tpu.memory_space<hbm>> -> memref<128x256xf32, #tpu.memory_space<hbm>>
      tpu.enqueue_dma source(%arg11 : memref<128x256xf32, #tpu.memory_space<vmem>>) target(%dma_start3A_16 : memref<128x256xf32, #tpu.memory_space<hbm>>) target_semaphore(%run_scoped3A : memref<!tpu.dma_semaphore, #tpu.memory_space<semaphore_mem>>)
      %dma_wait3A_17 = arith.constant 0 : i32
      %dma_wait3A_18 = tpu.memref_slice %arg7[%mul3A_2, %dma_wait3A_17] : memref<4096x256xf32, #tpu.memory_space<hbm>> -> memref<128x256xf32, #tpu.memory_space<hbm>>
      %dma_wait3A_19 = arith.constant 0 : i32
      %dma_wait3A_20 = tpu.memref_slice %arg7[%mul3A_2, %dma_wait3A_19] : memref<4096x256xf32, #tpu.memory_space<hbm>> -> memref<128x256xf32, #tpu.memory_space<hbm>>
      tpu.wait_dma2 semaphore(%run_scoped3A : memref<!tpu.dma_semaphore, #tpu.memory_space<semaphore_mem>>) src(%arg11 : memref<128x256xf32, #tpu.memory_space<vmem>>) dst(%dma_wait3A_20 : memref<128x256xf32, #tpu.memory_space<hbm>>)
      tpu.yield
    }) : () -> ()
    return
  }
}

module attributes {stable_mosaic.version = 14 : i64} {
  func.func @_dec_body(%arg0: i32, %arg1: memref<512x256xf32, #tpu.memory_space<vmem>>, %arg2: memref<512x256xf32, #tpu.memory_space<vmem>>, %arg3: memref<512x256xf32, #tpu.memory_space<vmem>>, %arg4: memref<512x256xf32, #tpu.memory_space<vmem>>, %arg5: memref<512x768xf32, #tpu.memory_space<vmem>>, %arg6: memref<1x768xf32, #tpu.memory_space<vmem>>, %arg7: memref<512x768xf32, #tpu.memory_space<vmem>>, %arg8: memref<1x1xf32, #tpu.memory_space<vmem>>, %arg9: memref<1x1xf32, #tpu.memory_space<vmem>>) attributes {dimension_semantics = [#tpu.dimension_semantics<arbitrary>], iteration_bounds = array<i64: 8>, scalar_prefetch = 0 : i64, scratch_operands = 0 : i64, tpu.core_type = #tpu.core_type<tc>, window_params = [{transform_indices = @transform_0, window_bounds = array<i64: 512, 256>}, {transform_indices = @transform_1, window_bounds = array<i64: 512, 256>}, {transform_indices = @transform_2, window_bounds = array<i64: 512, 256>}, {transform_indices = @transform_3, window_bounds = array<i64: 512, 256>}, {pipeline_mode = #tpu.pipeline_mode<synchronous>, transform_indices = @transform_4, window_bounds = array<i64: 512, 768>}, {pipeline_mode = #tpu.pipeline_mode<synchronous>, transform_indices = @transform_5, window_bounds = array<i64: 1, 768>}, {transform_indices = @transform_6, window_bounds = array<i64: 512, 768>}, {pipeline_mode = #tpu.pipeline_mode<synchronous>, transform_indices = @transform_7, window_bounds = array<i64: 1, 1>}, {pipeline_mode = #tpu.pipeline_mode<synchronous>, transform_indices = @transform_8, window_bounds = array<i64: 1, 1>}]} {
    %get3A = arith.constant 0 : index
    %get3A_0 = arith.constant 0 : index
    %get3A_1 = vector.load %arg1[%get3A, %get3A_0] : memref<512x256xf32, #tpu.memory_space<vmem>>, vector<512x256xf32>
    %mul3A = arith.mulf %get3A_1, %get3A_1 : vector<512x256xf32>
    %reduce_sum3A = arith.constant dense<0.000000e+00> : vector<512xf32>
    %reduce_sum3A_2 = vector.multi_reduction <add>, %mul3A, %reduce_sum3A [1] : vector<512x256xf32> to vector<512xf32>
    %broadcast_in_dim3A = vector.shape_cast %reduce_sum3A_2 : vector<512xf32> to vector<512x1xf32>
    %sqrt3A = math.sqrt %broadcast_in_dim3A : vector<512x1xf32>
    %add3A = arith.constant 9.99999993E-9 : f32
    %add3A_3 = vector.broadcast %add3A : f32 to vector<512x1xf32>
    %add3A_4 = arith.addf %sqrt3A, %add3A_3 : vector<512x1xf32>
    %div3A = vector.broadcast %add3A_4 : vector<512x1xf32> to vector<512x256xf32>
    %div3A_5 = arith.divf %get3A_1, %div3A : vector<512x256xf32>
    %get3A_6 = arith.constant 0 : index
    %get3A_7 = arith.constant 0 : index
    %get3A_8 = vector.load %arg2[%get3A_6, %get3A_7] : memref<512x256xf32, #tpu.memory_space<vmem>>, vector<512x256xf32>
    %mul3A_9 = arith.mulf %get3A_8, %get3A_8 : vector<512x256xf32>
    %reduce_sum3A_10 = arith.constant dense<0.000000e+00> : vector<512xf32>
    %reduce_sum3A_11 = vector.multi_reduction <add>, %mul3A_9, %reduce_sum3A_10 [1] : vector<512x256xf32> to vector<512xf32>
    %broadcast_in_dim3A_12 = vector.shape_cast %reduce_sum3A_11 : vector<512xf32> to vector<512x1xf32>
    %sqrt3A_13 = math.sqrt %broadcast_in_dim3A_12 : vector<512x1xf32>
    %add3A_14 = arith.constant 9.99999993E-9 : f32
    %add3A_15 = vector.broadcast %add3A_14 : f32 to vector<512x1xf32>
    %add3A_16 = arith.addf %sqrt3A_13, %add3A_15 : vector<512x1xf32>
    %div3A_17 = vector.broadcast %add3A_16 : vector<512x1xf32> to vector<512x256xf32>
    %div3A_18 = arith.divf %get3A_8, %div3A_17 : vector<512x256xf32>
    %get3A_19 = arith.constant 0 : index
    %get3A_20 = arith.constant 0 : index
    %get3A_21 = vector.load %arg5[%get3A_19, %get3A_20] : memref<512x768xf32, #tpu.memory_space<vmem>>, vector<256x768xf32>
    %dot_general3A = arith.constant dense<0.000000e+00> : vector<512x768xf32>
    %dot_general3A_22 = tpu.matmul %div3A_5, %get3A_21, %dot_general3A {dimension_numbers = #tpu.dot_dimension_numbers<[1], [0], [0], [1], [0, 0, 1, 1], [], []>, transpose_lhs_hint = false} : vector<512x256xf32>, vector<256x768xf32>, vector<512x768xf32> -> vector<512x768xf32>
    %get3A_23 = arith.constant 256 : index
    %get3A_24 = arith.constant 0 : index
    %get3A_25 = vector.load %arg5[%get3A_23, %get3A_24] : memref<512x768xf32, #tpu.memory_space<vmem>>, vector<256x768xf32>
    %dot_general3A_26 = arith.constant dense<0.000000e+00> : vector<512x768xf32>
    %dot_general3A_27 = tpu.matmul %div3A_18, %get3A_25, %dot_general3A_26 {dimension_numbers = #tpu.dot_dimension_numbers<[1], [0], [0], [1], [0, 0, 1, 1], [], []>, transpose_lhs_hint = false} : vector<512x256xf32>, vector<256x768xf32>, vector<512x768xf32> -> vector<512x768xf32>
    %add3A_28 = arith.addf %dot_general3A_22, %dot_general3A_27 : vector<512x768xf32>
    %get3A_29 = arith.constant 0 : index
    %get3A_30 = arith.constant 0 : index
    %get3A_31 = vector.load %arg6[%get3A_29, %get3A_30] : memref<1x768xf32, #tpu.memory_space<vmem>>, vector<1x768xf32>
    %add3A_32 = vector.broadcast %get3A_31 : vector<1x768xf32> to vector<512x768xf32>
    %add3A_33 = arith.addf %add3A_28, %add3A_32 : vector<512x768xf32>
    %swap3A = arith.constant 0 : index
    %swap3A_34 = arith.constant 0 : index
    %swap3A_35 = vector.load %arg7[%swap3A, %swap3A_34] : memref<512x768xf32, #tpu.memory_space<vmem>>, vector<512x768xf32>
    tpu.vector_store %arg7[%swap3A, %swap3A_34], %add3A_33 {strides = array<i32>} : memref<512x768xf32, #tpu.memory_space<vmem>>, vector<512x768xf32>,
    %get3A_36 = arith.constant 0 : index
    %get3A_37 = arith.constant 0 : index
    %get3A_38 = vector.load %arg3[%get3A_36, %get3A_37] : memref<512x256xf32, #tpu.memory_space<vmem>>, vector<512x256xf32>
    %sub3A = arith.subf %div3A_5, %get3A_38 : vector<512x256xf32>
    %get3A_39 = arith.constant 0 : index
    %get3A_40 = arith.constant 0 : index
    %get3A_41 = vector.load %arg4[%get3A_39, %get3A_40] : memref<512x256xf32, #tpu.memory_space<vmem>>, vector<512x256xf32>
    %sub3A_42 = arith.subf %div3A_18, %get3A_41 : vector<512x256xf32>
    %mul3A_43 = arith.mulf %sub3A, %sub3A : vector<512x256xf32>
    %reduce_sum3A_44 = vector.shape_cast %mul3A_43 : vector<512x256xf32> to vector<1x512x256xf32>
    %reduce_sum3A_45 = arith.constant dense<0.000000e+00> : vector<1xf32>
    %reduce_sum3A_46 = vector.multi_reduction <add>, %reduce_sum3A_44, %reduce_sum3A_45 [1, 2] : vector<1x512x256xf32> to vector<1xf32>
    %reduce_sum3A_47 = vector.shape_cast %reduce_sum3A_46 : vector<1xf32> to vector<1x1x1xf32>
    %reduce_sum3A_48 = vector.extract %reduce_sum3A_47[0, 0, 0] : f32 from vector<1x1x1xf32>
    %reshape3A = vector.broadcast %reduce_sum3A_48 : f32 to vector<1x1xf32>
    %mul3A_49 = arith.mulf %sub3A_42, %sub3A_42 : vector<512x256xf32>
    %reduce_sum3A_50 = vector.shape_cast %mul3A_49 : vector<512x256xf32> to vector<1x512x256xf32>
    %reduce_sum3A_51 = arith.constant dense<0.000000e+00> : vector<1xf32>
    %reduce_sum3A_52 = vector.multi_reduction <add>, %reduce_sum3A_50, %reduce_sum3A_51 [1, 2] : vector<1x512x256xf32> to vector<1xf32>
    %reduce_sum3A_53 = vector.shape_cast %reduce_sum3A_52 : vector<1xf32> to vector<1x1x1xf32>
    %reduce_sum3A_54 = vector.extract %reduce_sum3A_53[0, 0, 0] : f32 from vector<1x1x1xf32>
    %reshape3A_55 = vector.broadcast %reduce_sum3A_54 : f32 to vector<1x1xf32>
    %eq3A = arith.constant 0 : i32
    %eq3A_56 = arith.cmpi eq, %arg0, %eq3A : i32
    %convert_element_type3A = arith.extui %eq3A_56 : i1 to i32
    %cond3A = arith.constant 0 : i32
    %cond3A_57 = arith.cmpi ne, %convert_element_type3A, %cond3A : i32
    scf.if %cond3A_57 {
      %swap3A_67 = arith.constant 0 : index
      %swap3A_68 = arith.constant 0 : index
      %swap3A_69 = vector.load %arg8[%swap3A_67, %swap3A_68] : memref<1x1xf32, #tpu.memory_space<vmem>>, vector<1x1xf32>
      tpu.vector_store %arg8[%swap3A_67, %swap3A_68], %reshape3A {strides = array<i32>} : memref<1x1xf32, #tpu.memory_space<vmem>>, vector<1x1xf32>,
      %swap3A_70 = arith.constant 0 : index
      %swap3A_71 = arith.constant 0 : index
      %swap3A_72 = vector.load %arg9[%swap3A_70, %swap3A_71] : memref<1x1xf32, #tpu.memory_space<vmem>>, vector<1x1xf32>
      tpu.vector_store %arg9[%swap3A_70, %swap3A_71], %reshape3A_55 {strides = array<i32>} : memref<1x1xf32, #tpu.memory_space<vmem>>, vector<1x1xf32>,
    } else {
    }
    %ne3A = arith.constant 0 : i32
    %ne3A_58 = arith.cmpi ne, %arg0, %ne3A : i32
    %convert_element_type3A_59 = arith.extui %ne3A_58 : i1 to i32
    %cond3A_60 = arith.constant 0 : i32
    %cond3A_61 = arith.cmpi ne, %convert_element_type3A_59, %cond3A_60 : i32
    scf.if %cond3A_61 {
      %get3A_67 = arith.constant 0 : index
      %get3A_68 = arith.constant 0 : index
      %get3A_69 = vector.load %arg8[%get3A_67, %get3A_68] : memref<1x1xf32, #tpu.memory_space<vmem>>, vector<1x1xf32>
      %add3A_70 = arith.addf %get3A_69, %reshape3A : vector<1x1xf32>
      %swap3A_71 = arith.constant 0 : index
      %swap3A_72 = arith.constant 0 : index
      %swap3A_73 = vector.load %arg8[%swap3A_71, %swap3A_72] : memref<1x1xf32, #tpu.memory_space<vmem>>, vector<1x1xf32>
      tpu.vector_store %arg8[%swap3A_71, %swap3A_72], %add3A_70 {strides = array<i32>} : memref<1x1xf32, #tpu.memory_space<vmem>>, vector<1x1xf32>,
      %get3A_74 = arith.constant 0 : index
      %get3A_75 = arith.constant 0 : index
      %get3A_76 = vector.load %arg9[%get3A_74, %get3A_75] : memref<1x1xf32, #tpu.memory_space<vmem>>, vector<1x1xf32>
      %add3A_77 = arith.addf %get3A_76, %reshape3A_55 : vector<1x1xf32>
      %swap3A_78 = arith.constant 0 : index
      %swap3A_79 = arith.constant 0 : index
      %swap3A_80 = vector.load %arg9[%swap3A_78, %swap3A_79] : memref<1x1xf32, #tpu.memory_space<vmem>>, vector<1x1xf32>
      tpu.vector_store %arg9[%swap3A_78, %swap3A_79], %add3A_77 {strides = array<i32>} : memref<1x1xf32, #tpu.memory_space<vmem>>, vector<1x1xf32>,
    } else {
    }
    %eq3A_62 = arith.constant 7 : i32
    %eq3A_63 = arith.cmpi eq, %arg0, %eq3A_62 : i32
    %convert_element_type3A_64 = arith.extui %eq3A_63 : i1 to i32
    %cond3A_65 = arith.constant 0 : i32
    %cond3A_66 = arith.cmpi ne, %convert_element_type3A_64, %cond3A_65 : i32
    scf.if %cond3A_66 {
      %get3A_67 = arith.constant 0 : index
      %get3A_68 = arith.constant 0 : index
      %get3A_69 = vector.load %arg8[%get3A_67, %get3A_68] : memref<1x1xf32, #tpu.memory_space<vmem>>, vector<1x1xf32>
      %mul3A_70 = arith.constant 2.38418579E-7 : f32
      %mul3A_71 = vector.broadcast %mul3A_70 : f32 to vector<1x1xf32>
      %mul3A_72 = arith.mulf %mul3A_71, %get3A_69 : vector<1x1xf32>
      %swap3A_73 = arith.constant 0 : index
      %swap3A_74 = arith.constant 0 : index
      %swap3A_75 = vector.load %arg8[%swap3A_73, %swap3A_74] : memref<1x1xf32, #tpu.memory_space<vmem>>, vector<1x1xf32>
      tpu.vector_store %arg8[%swap3A_73, %swap3A_74], %mul3A_72 {strides = array<i32>} : memref<1x1xf32, #tpu.memory_space<vmem>>, vector<1x1xf32>,
      %get3A_76 = arith.constant 0 : index
      %get3A_77 = arith.constant 0 : index
      %get3A_78 = vector.load %arg9[%get3A_76, %get3A_77] : memref<1x1xf32, #tpu.memory_space<vmem>>, vector<1x1xf32>
      %mul3A_79 = arith.constant 2.38418579E-7 : f32
      %mul3A_80 = vector.broadcast %mul3A_79 : f32 to vector<1x1xf32>
      %mul3A_81 = arith.mulf %mul3A_80, %get3A_78 : vector<1x1xf32>
      %swap3A_82 = arith.constant 0 : index
      %swap3A_83 = arith.constant 0 : index
      %swap3A_84 = vector.load %arg9[%swap3A_82, %swap3A_83] : memref<1x1xf32, #tpu.memory_space<vmem>>, vector<1x1xf32>
      tpu.vector_store %arg9[%swap3A_82, %swap3A_83], %mul3A_81 {strides = array<i32>} : memref<1x1xf32, #tpu.memory_space<vmem>>, vector<1x1xf32>,
    } else {
    }
    return
  }
  func.func @transform_0(%arg0: i32) -> (i32, i32) {
    %c0_i32 = arith.constant 0 : i32
    %c0_i32_0 = arith.constant 0 : i32
    return %arg0, %c0_i32 : i32, i32
  }
  func.func @transform_1(%arg0: i32) -> (i32, i32) {
    %c0_i32 = arith.constant 0 : i32
    %c0_i32_0 = arith.constant 0 : i32
    return %arg0, %c0_i32 : i32, i32
  }
  func.func @transform_2(%arg0: i32) -> (i32, i32) {
    %c0_i32 = arith.constant 0 : i32
    %c0_i32_0 = arith.constant 0 : i32
    return %arg0, %c0_i32 : i32, i32
  }
  func.func @transform_3(%arg0: i32) -> (i32, i32) {
    %c0_i32 = arith.constant 0 : i32
    %c0_i32_0 = arith.constant 0 : i32
    return %arg0, %c0_i32 : i32, i32
  }
  func.func @transform_4(%arg0: i32) -> (i32, i32) {
    %c0_i32 = arith.constant 0 : i32
    %c0_i32_0 = arith.constant 0 : i32
    %c0_i32_1 = arith.constant 0 : i32
    return %c0_i32, %c0_i32_0 : i32, i32
  }
  func.func @transform_5(%arg0: i32) -> (i32, i32) {
    %c0_i32 = arith.constant 0 : i32
    %c0_i32_0 = arith.constant 0 : i32
    %c0_i32_1 = arith.constant 0 : i32
    return %c0_i32, %c0_i32_0 : i32, i32
  }
  func.func @transform_6(%arg0: i32) -> (i32, i32) {
    %c0_i32 = arith.constant 0 : i32
    %c0_i32_0 = arith.constant 0 : i32
    return %arg0, %c0_i32 : i32, i32
  }
  func.func @transform_7(%arg0: i32) -> (i32, i32) {
    %c0_i32 = arith.constant 0 : i32
    %c0_i32_0 = arith.constant 0 : i32
    %c0_i32_1 = arith.constant 0 : i32
    return %c0_i32, %c0_i32_0 : i32, i32
  }
  func.func @transform_8(%arg0: i32) -> (i32, i32) {
    %c0_i32 = arith.constant 0 : i32
    %c0_i32_0 = arith.constant 0 : i32
    %c0_i32_1 = arith.constant 0 : i32
    return %c0_i32, %c0_i32_0 : i32, i32
  }
}

module attributes {stable_mosaic.version = 14 : i64} {
  func.func @_vq_body(%arg0: i32, %arg1: memref<1024x768xf32, #tpu.memory_space<vmem>>, %arg2: memref<768x256xf32, #tpu.memory_space<vmem>>, %arg3: memref<1x256xf32, #tpu.memory_space<vmem>>, %arg4: memref<8192x256xf32, #tpu.memory_space<vmem>>, %arg5: memref<1x1x1024xi32, #tpu.memory_space<vmem>>, %arg6: memref<1024x256xf32, #tpu.memory_space<vmem>>, %arg7: memref<8192x256xf32, #tpu.memory_space<vmem>>, %arg8: memref<1024x8192xf32, #tpu.memory_space<vmem>>) attributes {dimension_semantics = [#tpu.dimension_semantics<arbitrary>], iteration_bounds = array<i64: 4>, scalar_prefetch = 0 : i64, scratch_operands = 2 : i64, tpu.core_type = #tpu.core_type<tc>, window_params = [{transform_indices = @transform_0, window_bounds = array<i64: 1024, 768>}, {pipeline_mode = #tpu.pipeline_mode<synchronous>, transform_indices = @transform_1, window_bounds = array<i64: 768, 256>}, {pipeline_mode = #tpu.pipeline_mode<synchronous>, transform_indices = @transform_2, window_bounds = array<i64: 1, 256>}, {pipeline_mode = #tpu.pipeline_mode<synchronous>, transform_indices = @transform_3, window_bounds = array<i64: 8192, 256>}, {transform_indices = @transform_4, window_bounds = array<i64: 1, 1, 1024>}, {transform_indices = @transform_5, window_bounds = array<i64: 1024, 256>}]} {
    %eq3A = arith.constant 0 : i32
    %eq3A_0 = arith.cmpi eq, %arg0, %eq3A : i32
    %convert_element_type3A = arith.extui %eq3A_0 : i1 to i32
    %cond3A = arith.constant 0 : i32
    %cond3A_1 = arith.cmpi ne, %convert_element_type3A, %cond3A : i32
    scf.if %cond3A_1 {
      %get3A_37 = arith.constant 0 : index
      %get3A_38 = arith.constant 0 : index
      %get3A_39 = vector.load %arg4[%get3A_37, %get3A_38] : memref<8192x256xf32, #tpu.memory_space<vmem>>, vector<8192x256xf32>
      %mul3A_40 = arith.mulf %get3A_39, %get3A_39 : vector<8192x256xf32>
      %reduce_sum3A_41 = arith.constant dense<0.000000e+00> : vector<8192xf32>
      %reduce_sum3A_42 = vector.multi_reduction <add>, %mul3A_40, %reduce_sum3A_41 [1] : vector<8192x256xf32> to vector<8192xf32>
      %broadcast_in_dim3A_43 = vector.shape_cast %reduce_sum3A_42 : vector<8192xf32> to vector<8192x1xf32>
      %sqrt3A_44 = math.sqrt %broadcast_in_dim3A_43 : vector<8192x1xf32>
      %add3A_45 = arith.constant 9.99999993E-9 : f32
      %add3A_46 = vector.broadcast %add3A_45 : f32 to vector<8192x1xf32>
      %add3A_47 = arith.addf %sqrt3A_44, %add3A_46 : vector<8192x1xf32>
      %div3A_48 = vector.broadcast %add3A_47 : vector<8192x1xf32> to vector<8192x256xf32>
      %div3A_49 = arith.divf %get3A_39, %div3A_48 : vector<8192x256xf32>
      %swap3A_50 = arith.constant 0 : index
      %swap3A_51 = arith.constant 0 : index
      %swap3A_52 = vector.load %arg7[%swap3A_50, %swap3A_51] : memref<8192x256xf32, #tpu.memory_space<vmem>>, vector<8192x256xf32>
      tpu.vector_store %arg7[%swap3A_50, %swap3A_51], %div3A_49 {strides = array<i32>} : memref<8192x256xf32, #tpu.memory_space<vmem>>, vector<8192x256xf32>,
    } else {
    }
    %get3A = arith.constant 0 : index
    %get3A_2 = arith.constant 0 : index
    %get3A_3 = vector.load %arg1[%get3A, %get3A_2] : memref<1024x768xf32, #tpu.memory_space<vmem>>, vector<1024x768xf32>
    %get3A_4 = arith.constant 0 : index
    %get3A_5 = arith.constant 0 : index
    %get3A_6 = vector.load %arg2[%get3A_4, %get3A_5] : memref<768x256xf32, #tpu.memory_space<vmem>>, vector<768x256xf32>
    %dot_general3A = arith.constant dense<0.000000e+00> : vector<1024x256xf32>
    %dot_general3A_7 = tpu.matmul %get3A_3, %get3A_6, %dot_general3A {dimension_numbers = #tpu.dot_dimension_numbers<[1], [0], [0], [1], [0, 0, 1, 1], [], []>, transpose_lhs_hint = false} : vector<1024x768xf32>, vector<768x256xf32>, vector<1024x256xf32> -> vector<1024x256xf32>
    %get3A_8 = arith.constant 0 : index
    %get3A_9 = arith.constant 0 : index
    %get3A_10 = vector.load %arg3[%get3A_8, %get3A_9] : memref<1x256xf32, #tpu.memory_space<vmem>>, vector<1x256xf32>
    %add3A = vector.broadcast %get3A_10 : vector<1x256xf32> to vector<1024x256xf32>
    %add3A_11 = arith.addf %dot_general3A_7, %add3A : vector<1024x256xf32>
    %mul3A = arith.mulf %add3A_11, %add3A_11 : vector<1024x256xf32>
    %reduce_sum3A = arith.constant dense<0.000000e+00> : vector<1024xf32>
    %reduce_sum3A_12 = vector.multi_reduction <add>, %mul3A, %reduce_sum3A [1] : vector<1024x256xf32> to vector<1024xf32>
    %broadcast_in_dim3A = vector.shape_cast %reduce_sum3A_12 : vector<1024xf32> to vector<1024x1xf32>
    %sqrt3A = math.sqrt %broadcast_in_dim3A : vector<1024x1xf32>
    %add3A_13 = arith.constant 9.99999993E-9 : f32
    %add3A_14 = vector.broadcast %add3A_13 : f32 to vector<1024x1xf32>
    %add3A_15 = arith.addf %sqrt3A, %add3A_14 : vector<1024x1xf32>
    %div3A = vector.broadcast %add3A_15 : vector<1024x1xf32> to vector<1024x256xf32>
    %div3A_16 = arith.divf %add3A_11, %div3A : vector<1024x256xf32>
    %swap3A = arith.constant 0 : index
    %swap3A_17 = arith.constant 0 : index
    %swap3A_18 = vector.load %arg6[%swap3A, %swap3A_17] : memref<1024x256xf32, #tpu.memory_space<vmem>>, vector<1024x256xf32>
    tpu.vector_store %arg6[%swap3A, %swap3A_17], %div3A_16 {strides = array<i32>} : memref<1024x256xf32, #tpu.memory_space<vmem>>, vector<1024x256xf32>,
    %get3A_19 = arith.constant 0 : index
    %get3A_20 = arith.constant 0 : index
    %get3A_21 = vector.load %arg6[%get3A_19, %get3A_20] : memref<1024x256xf32, #tpu.memory_space<vmem>>, vector<1024x256xf32>
    %get3A_22 = arith.constant 0 : index
    %get3A_23 = arith.constant 0 : index
    %get3A_24 = vector.load %arg7[%get3A_22, %get3A_23] : memref<8192x256xf32, #tpu.memory_space<vmem>>, vector<8192x256xf32>
    %dot_general3A_25 = arith.constant dense<0.000000e+00> : vector<1024x8192xf32>
    %dot_general3A_26 = tpu.matmul %get3A_21, %get3A_24, %dot_general3A_25 {dimension_numbers = #tpu.dot_dimension_numbers<[1], [1], [0], [0], [0, 0, 1, 0], [], []>, transpose_lhs_hint = false} : vector<1024x256xf32>, vector<8192x256xf32>, vector<1024x8192xf32> -> vector<1024x8192xf32>
    %swap3A_27 = arith.constant 0 : index
    %swap3A_28 = arith.constant 0 : index
    %swap3A_29 = vector.load %arg8[%swap3A_27, %swap3A_28] : memref<1024x8192xf32, #tpu.memory_space<vmem>>, vector<1024x8192xf32>
    tpu.vector_store %arg8[%swap3A_27, %swap3A_28], %dot_general3A_26 {strides = array<i32>} : memref<1024x8192xf32, #tpu.memory_space<vmem>>, vector<1024x8192xf32>,
    %get3A_30 = arith.constant 0 : index
    %get3A_31 = arith.constant 0 : index
    %get3A_32 = vector.load %arg8[%get3A_30, %get3A_31] : memref<1024x8192xf32, #tpu.memory_space<vmem>>, vector<1024x8192xf32>
    %argmax3A = tpu.reduce_index %get3A_32 {axis = 1 : i32, kind = #tpu.reduction_kind<arg_max>} : vector<1024x8192xf32> -> vector<1024xi32>
    %reshape3A = vector.shape_cast %argmax3A : vector<1024xi32> to vector<1x1x1024xi32>
    %swap3A_33 = arith.constant 0 : index
    %swap3A_34 = arith.constant 0 : index
    %swap3A_35 = arith.constant 0 : index
    %swap3A_36 = vector.load %arg5[%swap3A_33, %swap3A_34, %swap3A_35] : memref<1x1x1024xi32, #tpu.memory_space<vmem>>, vector<1x1x1024xi32>
    tpu.vector_store %arg5[%swap3A_33, %swap3A_34, %swap3A_35], %reshape3A {strides = array<i32>} : memref<1x1x1024xi32, #tpu.memory_space<vmem>>, vector<1x1x1024xi32>,
    return
  }
  func.func @transform_0(%arg0: i32) -> (i32, i32) {
    %c0_i32 = arith.constant 0 : i32
    %c0_i32_0 = arith.constant 0 : i32
    return %arg0, %c0_i32 : i32, i32
  }
  func.func @transform_1(%arg0: i32) -> (i32, i32) {
    %c0_i32 = arith.constant 0 : i32
    %c0_i32_0 = arith.constant 0 : i32
    %c0_i32_1 = arith.constant 0 : i32
    return %c0_i32, %c0_i32_0 : i32, i32
  }
  func.func @transform_2(%arg0: i32) -> (i32, i32) {
    %c0_i32 = arith.constant 0 : i32
    %c0_i32_0 = arith.constant 0 : i32
    %c0_i32_1 = arith.constant 0 : i32
    return %c0_i32, %c0_i32_0 : i32, i32
  }
  func.func @transform_3(%arg0: i32) -> (i32, i32) {
    %c0_i32 = arith.constant 0 : i32
    %c0_i32_0 = arith.constant 0 : i32
    %c0_i32_1 = arith.constant 0 : i32
    return %c0_i32, %c0_i32_0 : i32, i32
  }
  func.func @transform_4(%arg0: i32) -> (i32, i32, i32) {
    %c0_i32 = arith.constant 0 : i32
    %c0_i32_0 = arith.constant 0 : i32
    %c0_i32_1 = arith.constant 0 : i32
    return %arg0, %c0_i32, %c0_i32_0 : i32, i32, i32
  }
  func.func @transform_5(%arg0: i32) -> (i32, i32) {
    %c0_i32 = arith.constant 0 : i32
    %c0_i32_0 = arith.constant 0 : i32
    return %arg0, %c0_i32 : i32, i32
  }
}

</mosaic_0001>

<sc_bundles>
// kernel: kernel.6.cloned.1.call-start
scs
__scs_entry_jumppad:
0x0: {  	(pc) =	sbr.rel $0x88, $3  }
0x1: {  	(tag) =	ssettag $0x0;
	lr =	simm.s32 $0x1  }
0x2: {  	[smem:$0x3F97] =	sst lr;
	_ =	strace $0xD0000000  }
0x3: {  	_ = 	snop  }
0x4: {  	_ = 	snop  }
0x5: {  	_ = 	snop  }
0x6: {  	_ = 	snop  }
0x7: {  	_ = 	snop  }
__scs_overlays_trampoline_lowered:
0x8: {  	[smem:$0x3FA6] =	sst s0  }
0x9: {  	[smem:$0x3FA7] =	sst s1  }
0xa: {  	[smem:$0x3FA8] =	sst s2  }
0xb: {  	[smem:$0x3FA9] =	sst s3  }
0xc: {  	[smem:$0x3FAA] =	sst s4  }
0xd: {  	[smem:$0x3FAB] =	sst s5  }
0xe: {  	[smem:$0x3FAC] =	sst s6  }
0xf: {  	[smem:$0x3FAD] =	sst s7  }
0x10: {  	[smem:$0x3FAE] =	sst s8  }
0x11: {  	[smem:$0x3FAF] =	sst s9;
	s0 =	simm.s32 @!p0 $0x0  }
0x12: {  	s1 =	sld [smem:$0x3F95];
	s0 =	simm.s32 @p0 $0x1  }
0x13: {  	[smem:$0x3FB0] =	sst s0;
	s0 =	simm.s32 @!p1 $0x0  }
0x14: {  	s2 =	sld [smem:$0x3F94];
	s0 =	simm.s32 @p1 $0x1  }
0x15: {  	[smem:$0x3FB1] =	sst s0;
	s0 =	simm.s32 @!p2 $0x0  }
0x16: {  	s3 =	sld [smem:$0x3FDB];
	s0 =	simm.s32 @p2 $0x1  }
0x17: {  	s4 =	simm.s32 $0x1BF5;
	[smem:$0x3FB3] =	sst s0  }
0x18: {  	s0 =	sld [smem:$0x3F96];
	_ =	swait.ge [sflag:s4], $0x0  }
0x19: {  	s7 =	sld [smem:$0x3F97]  }
0x1a: {  	s8 =	sadd.s32 $0xFFFFE003, lr  }
0x1b: {  	s9 =	sadd.s32 $0xFFFFFEF7, lr;
	s5 =	simm.s32 $0xFFFFFFFF;
	p2 =	slt.u32 s8, $0xFFFFF086  }
0x1c: {  	p1 =	slt.u32 s9, $0xF7A;
	s5 =	simm.s32 @!p2 $0x0  }
0x1d: {  	s5 =	simm.s32 @p1 $0x1;
	p0 =	seq.s32 s7, s2  }
0x1e: {  	s7 =	smul.u32 @!p0 $0xF7A, s2;
	p2 =	seq.s32 @!p0 s5, $0x0  }
0x1f: {  	s9 =	smul.u32 $0xF7A, s1;
	s8 =	simm.s32 @!p0 $0x1BF5;
	p2 =	por !p2, p0  }
0x20: {  	[sflag:s8] =	ssyncset.s32 @!p0 $0xFFFFF086;
	s6 =	sadd.s32 @!p0 s3, s7;
	s7 =	simm.s32 @!p0 $0x108  }
0x21: {  	s3 =	sadd.s32 s3, s9;
	s6 =	sadd.s32 @!p0 $0x88, s6;
	s7 =	simm.s32 @p2 $0x1082  }
0x22: {  	[simem:s7], [sflag:s8] =	dma.local @!p0 [hbm:s6], $0xF7A  }
0x23: {  	s9 =	sor.u32 $0xD0000000, s2;
	s6 =	simm.s32 $0x108;
	_ =	swait.ge @!p0 [sflag:s8], $0x0  }
0x24: {  	s3 =	sadd.s32 $0x88, s3;
	s6 =	simm.s32 @!p1 $0x1082;
	[sflag:s4] =	ssyncset.s32 $0xFFFFF086  }
0x25: {  	[simem:s6], [sflag:s4] =	dma.local [hbm:s3], $0xF7A  }
0x26: {  	[smem:$0x3F97] =	sst s1;
	(tag) =	ssettag s2;
	_ =	strace s9  }
0x27: {  	s1 =	sld [smem:$0x3FA7]  }
0x28: {  	s2 =	sld [smem:$0x3FA8]  }
0x29: {  	s4 =	sld [smem:$0x3FAA]  }
0x2a: {  	p0 =	seq.s32 s5, $0x0;
	s5 =	sld [smem:$0x3FAB]  }
0x2b: {  	s6 =	sld [smem:$0x3FAC]  }
0x2c: {  	s7 =	sld [smem:$0x3FAD]  }
0x2d: {  	s3 =	simm.s32 $0x108;
	s8 =	sld [smem:$0x3FAE]  }
0x2e: {  	s3 =	simm.s32 @!p0 $0x1082;
	s9 =	sld [smem:$0x3FAF]  }
0x2f: {  	lr =	sadd.s32 s0, s3;
	s0 =	sld [smem:$0x3FA6]  }
0x30: {  	s3 =	sld [smem:$0x3FA9]  }
0x31: {  	[smem:$0x3FB2] =	sst s10  }
0x32: {  	s10 =	sld [smem:$0x3FB0];
	_ =	sdelay $0x3  }
0x33: {  	p0 =	seq.s32 s10, $0x1;
	s10 =	sld [smem:$0x3FB2];
	_ =	sdelay $0x3  }
0x34: {  	[smem:$0x3FB2] =	sst s10  }
0x35: {  	s10 =	sld [smem:$0x3FB1];
	_ =	sdelay $0x3  }
0x36: {  	p1 =	seq.s32 s10, $0x1;
	s10 =	sld [smem:$0x3FB2];
	_ =	sdelay $0x3  }
0x37: {  	[smem:$0x3FB2] =	sst s10  }
0x38: {  	s10 =	sld [smem:$0x3FB3]  }
0x39: {  	_ = 	snop;
	(pc) =	sbr.ind lr, $3  }
0x3a: {  	_ = 	snop  }
0x3b: {  	_ = 	snop  }
0x3c: {  	p2 =	seq.s32 s10, $0x1;
	s10 =	sld [smem:$0x3FB2]  }
0x3d: {  	_ =	shalt  }
0x3e: {  	_ =	shalt  }
0x3f: {  	_ =	shalt  }
0x40: {  	_ =	shalt  }
0x41: {  	_ =	shalt  }
0x42: {  	_ =	shalt  }
0x43: {  	_ =	shalt  }
0x44: {  	_ =	shalt  }
0x45: {  	_ =	shalt  }
0x46: {  	_ =	shalt  }
0x47: {  	_ =	shalt  }
0x48: {  	_ =	shalt  }
0x49: {  	_ =	shalt  }
0x4a: {  	_ =	shalt  }
0x4b: {  	_ =	shalt  }
0x4c: {  	_ =	shalt  }
0x4d: {  	_ =	shalt  }
0x4e: {  	_ =	shalt  }
0x4f: {  	_ =	shalt  }
0x50: {  	_ =	shalt  }
0x51: {  	_ =	shalt  }
0x52: {  	_ =	shalt  }
0x53: {  	_ =	shalt  }
0x54: {  	_ =	shalt  }
0x55: {  	_ =	shalt  }
0x56: {  	_ =	shalt  }
0x57: {  	_ =	shalt  }
0x58: {  	_ =	shalt  }
0x59: {  	_ =	shalt  }
0x5a: {  	_ =	shalt  }
0x5b: {  	_ =	shalt  }
0x5c: {  	_ =	shalt  }
0x5d: {  	_ =	shalt  }
0x5e: {  	_ =	shalt  }
0x5f: {  	_ =	shalt  }
0x60: {  	_ =	shalt  }
0x61: {  	_ =	shalt  }
0x62: {  	_ =	shalt  }
0x63: {  	_ =	shalt  }
0x64: {  	_ =	shalt  }
0x65: {  	_ =	shalt  }
0x66: {  	_ =	shalt  }
0x67: {  	_ =	shalt  }
0x68: {  	_ =	shalt  }
0x69: {  	_ =	shalt  }
0x6a: {  	_ =	shalt  }
0x6b: {  	_ =	shalt  }
0x6c: {  	_ =	shalt  }
0x6d: {  	_ =	shalt  }
0x6e: {  	_ =	shalt  }
0x6f: {  	_ =	shalt  }
0x70: {  	_ =	shalt  }
0x71: {  	_ =	shalt  }
0x72: {  	_ =	shalt  }
0x73: {  	_ =	shalt  }
0x74: {  	_ =	shalt  }
0x75: {  	_ =	shalt  }
0x76: {  	_ =	shalt  }
0x77: {  	_ =	shalt  }
0x78: {  	_ =	shalt  }
0x79: {  	_ =	shalt  }
0x7a: {  	_ =	shalt  }
0x7b: {  	_ =	shalt  }
0x7c: {  	_ =	shalt  }
0x7d: {  	_ =	shalt  }
0x7e: {  	_ =	shalt  }
0x7f: {  	_ =	shalt  }
0x80: {  	_ =	shalt  }
0x81: {  	_ =	shalt  }
0x82: {  	_ =	shalt  }
0x83: {  	_ =	shalt  }
0x84: {  	_ =	shalt  }
0x85: {  	_ =	shalt  }
0x86: {  	_ =	shalt  }
0x87: {  	_ =	shalt  }
.Lfunc_end0:
.L_simem_size_0:
called_computation_lowered:
.L_overlay_start_0:
0x88: {  	s2 =	sld [smem:$0x3FD9]  }
0x89: {  	s3 =	sld [smem:$0x3FFE];
	_ =	sdelay $0x1  }
0x8a: {  	s1 =	srdreg.scid  }
0x8b: {  	s0 =	sand.u32 $0x1, s1  }
0x8c: {  	s14 =	sshll.u32 s0, $0xA;
	s2 =	sadd.s32 s3, s2  }
0x8d: {  	s2 =	sadd.s32 s2, s14  }
0x8e: {  	[smem:$0x3FBE] =	sst s2  }
0x8f: {  	_ = 	snop  }
0x90: {  	s2 =	sld [smem:$0x3FD0];
	_ =	sdelay $0x1  }
0x91: {  	s15 =	sld [smem:$0x3FC3]  }
0x92: {  	s5 =	simm.s32 $0xA;
	s6 =	simm.s32 $0x10;
	s4 =	sld [smem:$0x3FC2]  }
0x93: {  	[smem:s6], [sflag:s5] =	dma.local [hbm:s2], $0x1  }
0x94: {  	_ =	swait.eq [sflag:s5], $0x1  }
0x95: {  	[sflag:s5] =	ssyncset.done $0x0  }
0x96: {  	[sflag:s5] =	ssyncadd.s32 $0xFFFFFFFF  }
0x97: {  	s16 =	sld [smem:$0x10];
	(tm) =	ssettm $0x1  }
0x98: {  	s17 =	sld [smem:$0x3FFB];
	_ =	sdelay $0x3  }
0x99: {  	_ =	strace s17  }
0x9a: {  	s5 =	sld [smem:$0x3FFC];
	_ =	sdelay $0x3  }
0x9b: {  	_ =	strace s5  }
0x9c: {  	s5 =	sld [smem:$0x3FFD];
	_ =	sdelay $0x3  }
0x9d: {  	_ =	strace s5  }
0x9e: {  	_ =	strace $0x8FFFFFFF  }
0x9f: {  	s18 =	sld [smem:$0x3FDB];
	_ =	sdelay $0x1  }
0xa0: {  	s19 =	simm.s32 $_scs_section_size  }
0xa1: {  	s7 =	simm.s32 $_size__tile_overlayer_lowered;
	s8 =	simm.s32 $_tile_overlayer_lowered  }
0xa2: {  	s22 =	simm.s32 $0x1BFF;
	s21 =	sshll.u32 s8, $0x1;
	s5 =	sadd.s32 s19, s18  }
0xa3: {  	s9 =	simm.s32 $0x0;
	s20 =	sshll.u32 s7, $0x1;
	s7 =	sadd.s32 s21, s5  }
0xa4: {  	[timem:s9], [sflag:s22] =	dma.local [hbm:s7], s20  }
0xa5: {  	_ =	swait.ge [sflag:s22], s20  }
0xa6: {  	s6 =	ssub.s32 $0x0, s20;
	[sflag:s22] =	ssyncset.done $0x0  }
0xa7: {  	[sflag:s22] =	ssyncadd.s32 s6;
	_ =	sdelay $0x1  }
0xa8: {  	s23 =	simm.s32 $0x1B8B  }
0xa9: {  	_ =	swait.ge [sflag:s23], $0x1  }
0xaa: {  	[sflag:s23] =	ssyncset.done $0x0  }
0xab: {  	s25 =	simm.s32 $0x1B8E;
	s24 =	sld [smem:$0x3FFE];
	[sflag:s23] =	ssyncadd.s32 $0xFFFFFFFF  }
0xac: {  	s26 =	simm.s32 $execute0_lowered;
	[smem:$0x3FD2] =	sst s25  }
0xad: {  	s7 =	sshll.u32 s26, $0x1;
	_ =	strace $0x80000046;
	[dreg:$0x1] =	wrdreg $0xFFFFFFFF  }
0xae: {  	s28 =	simm.s32 $_size_execute0_lowered;
	s5 =	sadd.s32 s5, s7;
	[dreg:$0x0] =	wrdreg $0x0  }
0xaf: {  	s7 =	sshll.u32 s28, $0x1;
	[dreg:$0x2] =	wrdreg s5  }
0xb0: {  	[dreg:$0x3] =	wrdreg s7  }
0xb1: {  	[dreg:$0x4] =	wrdreg $0xC0  }
0xb2: {  	_ =	task [dreg:s9], $0x5FFFF  }
0xb3: {  	[dreg:$0x1] =	wrdreg $0xFFFFFFFF  }
0xb4: {  	[dreg:$0x0] =	wrdreg $0x60  }
0xb5: {  	[dreg:$0x2] =	wrdreg s15  }
0xb6: {  	[dreg:$0x3] =	wrdreg s4  }
0xb7: {  	[dreg:$0x4] =	wrdreg s24  }
0xb8: {  	[dreg:$0x5] =	wrdreg s16  }
0xb9: {  	[dreg:$0x6] =	wrdreg $0x9  }
0xba: {  	_ =	task.clear_ibuf [dreg:s9], $0x7FFFF;
	_ =	strace $0x90000046  }
0xbb: {  	s29 =	simm.s32 $0x9;
	_ =	strace $0x80000048  }
0xbc: {  	_ =	swait.ge [sflag:s29], $0x1  }
0xbd: {  	[sflag:s29] =	ssyncadd.s32 $0xFFFFFFFF  }
0xbe: {  	_ =	strace $0x90000048  }
0xbf: {  	_ =	sfence  }
0xc0: {  	s30 =	sld [smem:$0x0];
	_ =	sdelay $0x2  }
0xc1: {  	s31 =	sshll.u32 s1, $0xD;
	s1 =	sshrl.u32 s1, $0x2  }
0xc2: {  	s3 =	sand.u32 $0x4000, s31;
	s1 =	sadd.s32 s1, s30  }
0xc3: {  	s0 =	sor.u32 s3, s0;
	s1 =	sshll.u32 s1, $0x11  }
0xc4: {  	s0 =	sor.u32 s1, s0  }
0xc5: {  	s0 =	sadd.s32 $0x8F2B, s0  }
0xc6: {  	[sflag:s0] =	ssyncadd.remote.s32 $0x1  }
0xc7: {  	_ =	sfence.sel $0xFFFF  }
0xc8: {  	[dreg:$0x0] =	wrdreg $0xFFFFFFFF;
	(pc) =	sbr.abs _section_cstart, $3  }
0xc9: {  	[dreg:$0x1] =	wrdreg $0xFFFFFFFF  }
0xca: {  	_ =	task.clear_ibuf [dreg:s9], $0x2FFFF;
	_ =	strace $0x9FFFFFFF  }
0xcb: {  	(tm) =	ssettm $0x7FFFFFFF  }
tec
execute0_lowered:
.L_overlay_start_1:
0x0: {  	(tag) =	ssettag $0x1  }
0x1: {  	s1 =	rddreg [dreg:$0x0]  }
0x2: {  	s2 =	rddreg [dreg:$0x1]  }
0x3: {  	s3 =	srdreg.scid;
	s5 =	rddreg [dreg:$0x2]  }
0x4: {  	s0 =	stileid.u32;
	s7 =	rddreg [dreg:$0x3]  }
0x5: {  	s17 =	simm.s32 $0x880;
	s18 =	simm.s32 $0x1080;
	s19 =	simm.s32 $0x1880  }
0x6: {  	s20 =	simm.s32 $0x2080;
	s21 =	simm.s32 $0x2880;
	s22 =	simm.s32 $0x3080  }
0x7: {  	s24 =	simm.s32 $0x3880;
	s25 =	simm.s32 $0x4080;
	s26 =	simm.s32 $0x4880  }
0x8: {  	s10 =	simm.s32 $0x6080;
	s11 =	simm.s32 $0x6880;
	s3 =	sand.u32 $0x1, s3  }
0x9: {  	s12 =	simm.s32 $0x7080;
	s4 =	sshll.u32 s0, $0x8;
	s6 =	sshll.u32 s3, $0x7  }
0xa: {  	s13 =	simm.s32 $0x7880;
	s6 =	sor.u32 s6, s4;
	s4 =	simm.s32 $0x0  }
0xb: {  	s14 =	simm.s32 $0x8080;
	s15 =	simm.s32 $0x8100;
	[smem:$0x7FF] =	sst s4  }
0xc: {  	s16 =	simm.s32 $0x8900;
	_ =	strace $0x80000047;
	[dreg:$0x9] =	wrdreg s17  }
0xd: {  	s28 =	simm.s32 $0xE100;
	s29 =	simm.s32 $0xE900;
	[dreg:$0xa] =	wrdreg s18  }
0xe: {  	s30 =	simm.s32 $0xF100;
	s3 =	ssub.s32 $0x2, s3;
	[dreg:$0xb] =	wrdreg s19  }
0xf: {  	s31 =	simm.s32 $0xF900;
	s23 =	sshrl.u32 s3, $0x1;
	[dreg:$0xc] =	wrdreg s20  }
0x10: {  	s8 =	sshrl.u32 s6, $0x3;
	s6 =	sshll.u32 s6, $0x5;
	[dreg:$0xd] =	wrdreg s21  }
0x11: {  	s3 =	ssub.s32 s3, s23;
	s23 =	simm.s32 $0xC100;
	[dreg:$0xe] =	wrdreg s22  }
0x12: {  	s8 =	sadd.s32 s8, s5;
	s5 =	sadd.s32 s6, s5;
	[dreg:$0xf] =	wrdreg s24  }
0x13: {  	s6 =	sadd.s32 s7, s6;
	[dreg:$0x10] =	wrdreg s25;
	s7 =	simm.s32 $0x80  }
0x14: {  	[dreg:$0x11] =	wrdreg s26;
	s17 =	simm.s32 $0x9100;
	s18 =	simm.s32 $0x9900  }
0x15: {  	s19 =	simm.s32 $0xA100;
	s20 =	simm.s32 $0xA900;
	s21 =	simm.s32 $0xB100  }
0x16: {  	s22 =	simm.s32 $0xB900;
	s9 =	sadd.s32 $0x2000, s8;
	[dreg:$0x7] =	wrdreg s6  }
0x17: {  	s24 =	simm.s32 $0xC900;
	s8 =	sadd.s32 $0x2200, s8;
	[dreg:$0x5] =	wrdreg s9  }
0x18: {  	v2 =	vlaneseq.u32;
	s25 =	simm.s32 $0xD100;
	s5 =	sadd.s32 $0x2400, s5;
	[dreg:$0x6] =	wrdreg s8  }
0x19: {  	vm0 =	vmmov $0xffff;
	v1 =	vshrl.u32 v2, $0x3;
	s26 =	simm.s32 $0xD900;
	s6 =	simm.s32 $0x2;
	[dreg:$0x8] =	wrdreg s5  }
0x1a: {  	v0 =	vand.u32 $0x7, v2;
	v2 =	vor.u32 $0x8, v2;
	v1 =	vmul.u32 $0x8, v1;
	s5 =	smax.u32 s3, $0x1;
	s9 =	simm.s32 $0x5880;
	s3 =	simm.s32 $0x1  }
.LBB2_1:
0x1b: {  	s0 =	rddreg [dreg:$0x5]  }
0x1c: {  	[tilespmem:s4], [sflag:$0x2] =	stream.linear.gather [hbm4b:s0+s4], $0x80, $0x38;
	[tilespmem:$0x10100] =	vst v63  }
0x1d: {  	_ =	swait.ge [sflag:s6], $0x80  }
0x1e: {  	[sflag:s6] =	ssyncset.done $0x0  }
0x1f: {  	[sflag:s6] =	ssyncadd.s32 $0xFFFFFF80  }
0x20: {  	v3 =	vld [tilespmem:$0x0];
	_ =	sdelay $0x4  }
0x21: {  	v4 =	vshll.u32 v3, $0x1  }
0x22: {  	v3 =	vand.u32 $0x7, v3;
	v4 =	vand.u32 $0xFFFFFFF0, v4  }
0x23: {  	v3 =	vor.u32 v3, v4  }
0x24: {  	v4 =	vperm.xlane v3, v0;
	_ =	sdelay $0x1  }
0x25: {  	v3 =	vperm.xlane v3, v2;
	v4 =	vadd.s32 v1, v4;
	_ =	sdelay $0x1  }
0x26: {  	v3 =	vadd.s32 v1, v3;
	_ =	sdelay $0x2  }
0x27: {  	[tilespmem:s7], [sflag:$0x1] =	stream.indirect_vreg.gather [hbm4b:s1+s4], $0x80, v4, vm0, $0xb8;
	[tilespmem:$0x10100] =	vst v63  }
0x28: {  	s8 =	rddreg [dreg:$0x9]  }
0x29: {  	[tilespmem:s8], [sflag:$0x1] =	stream.indirect_vreg.gather [hbm4b:s1+s4], $0x80, v3, vm0, $0xb8;
	[tilespmem:$0x10100] =	vst v63  }
0x2a: {  	v3 =	vld [tilespmem:$0x10];
	_ =	sdelay $0x4  }
0x2b: {  	v49 =	vshll.u32 v3, $0x1  }
0x2c: {  	v3 =	vand.u32 $0x7, v3;
	v4 =	vand.u32 $0xFFFFFFF0, v49  }
0x2d: {  	v3 =	vor.u32 v3, v4  }
0x2e: {  	v4 =	vperm.xlane v3, v0;
	_ =	sdelay $0x1  }
0x2f: {  	v3 =	vperm.xlane v3, v2;
	v4 =	vadd.s32 v1, v4;
	_ =	sdelay $0x1  }
0x30: {  	v3 =	vadd.s32 v1, v3;
	_ =	sdelay $0x1  }
0x31: {  	s0 =	rddreg [dreg:$0xa]  }
0x32: {  	[tilespmem:s0], [sflag:$0x1] =	stream.indirect_vreg.gather [hbm4b:s1+s4], $0x80, v4, vm0, $0xb8;
	[tilespmem:$0x10100] =	vst v63  }
0x33: {  	s8 =	rddreg [dreg:$0xb]  }
0x34: {  	[tilespmem:s8], [sflag:$0x1] =	stream.indirect_vreg.gather [hbm4b:s1+s4], $0x80, v3, vm0, $0xb8;
	[tilespmem:$0x10100] =	vst v63  }
0x35: {  	v3 =	vld [tilespmem:$0x20];
	_ =	sdelay $0x4  }
0x36: {  	v50 =	vshll.u32 v3, $0x1  }
0x37: {  	v3 =	vand.u32 $0x7, v3;
	v4 =	vand.u32 $0xFFFFFFF0, v50  }
0x38: {  	v3 =	vor.u32 v3, v4  }
0x39: {  	v4 =	vperm.xlane v3, v0;
	_ =	sdelay $0x1  }
0x3a: {  	v3 =	vperm.xlane v3, v2;
	v4 =	vadd.s32 v1, v4;
	_ =	sdelay $0x1  }
0x3b: {  	v3 =	vadd.s32 v1, v3;
	_ =	sdelay $0x1  }
0x3c: {  	s0 =	rddreg [dreg:$0xc]  }
0x3d: {  	[tilespmem:s0], [sflag:$0x1] =	stream.indirect_vreg.gather [hbm4b:s1+s4], $0x80, v4, vm0, $0xb8;
	[tilespmem:$0x10100] =	vst v63  }
0x3e: {  	s8 =	rddreg [dreg:$0xd]  }
0x3f: {  	[tilespmem:s8], [sflag:$0x1] =	stream.indirect_vreg.gather [hbm4b:s1+s4], $0x80, v3, vm0, $0xb8;
	[tilespmem:$0x10100] =	vst v63  }
0x40: {  	v3 =	vld [tilespmem:$0x30];
	_ =	sdelay $0x4  }
0x41: {  	v51 =	vshll.u32 v3, $0x1  }
0x42: {  	v3 =	vand.u32 $0x7, v3;
	v4 =	vand.u32 $0xFFFFFFF0, v51  }
0x43: {  	v3 =	vor.u32 v3, v4  }
0x44: {  	v4 =	vperm.xlane v3, v0;
	_ =	sdelay $0x1  }
0x45: {  	v3 =	vperm.xlane v3, v2;
	v4 =	vadd.s32 v1, v4;
	_ =	sdelay $0x1  }
0x46: {  	v3 =	vadd.s32 v1, v3;
	_ =	sdelay $0x1  }
0x47: {  	s0 =	rddreg [dreg:$0xe]  }
0x48: {  	[tilespmem:s0], [sflag:$0x1] =	stream.indirect_vreg.gather [hbm4b:s1+s4], $0x80, v4, vm0, $0xb8;
	[tilespmem:$0x10100] =	vst v63  }
0x49: {  	s8 =	rddreg [dreg:$0xf]  }
0x4a: {  	[tilespmem:s8], [sflag:$0x1] =	stream.indirect_vreg.gather [hbm4b:s1+s4], $0x80, v3, vm0, $0xb8;
	[tilespmem:$0x10100] =	vst v63  }
0x4b: {  	v3 =	vld [tilespmem:$0x40];
	_ =	sdelay $0x4  }
0x4c: {  	v52 =	vshll.u32 v3, $0x1  }
0x4d: {  	v3 =	vand.u32 $0x7, v3;
	v4 =	vand.u32 $0xFFFFFFF0, v52  }
0x4e: {  	v3 =	vor.u32 v3, v4  }
0x4f: {  	v4 =	vperm.xlane v3, v0;
	_ =	sdelay $0x1  }
0x50: {  	v3 =	vperm.xlane v3, v2;
	v4 =	vadd.s32 v1, v4;
	_ =	sdelay $0x1  }
0x51: {  	v3 =	vadd.s32 v1, v3;
	_ =	sdelay $0x1  }
0x52: {  	s0 =	rddreg [dreg:$0x10]  }
0x53: {  	[tilespmem:s0], [sflag:$0x1] =	stream.indirect_vreg.gather [hbm4b:s1+s4], $0x80, v4, vm0, $0xb8;
	[tilespmem:$0x10100] =	vst v63  }
0x54: {  	s8 =	rddreg [dreg:$0x11]  }
0x55: {  	[tilespmem:s8], [sflag:$0x1] =	stream.indirect_vreg.gather [hbm4b:s1+s4], $0x80, v3, vm0, $0xb8;
	[tilespmem:$0x10100] =	vst v63  }
0x56: {  	v3 =	vld [tilespmem:$0x50];
	_ =	sdelay $0x4  }
0x57: {  	v53 =	vshll.u32 v3, $0x1  }
0x58: {  	v3 =	vand.u32 $0x7, v3;
	v4 =	vand.u32 $0xFFFFFFF0, v53  }
0x59: {  	v3 =	vor.u32 v3, v4  }
0x5a: {  	v4 =	vperm.xlane v3, v0;
	_ =	sdelay $0x1  }
0x5b: {  	v3 =	vperm.xlane v3, v2;
	v4 =	vadd.s32 v1, v4;
	_ =	sdelay $0x1  }
0x5c: {  	v3 =	vadd.s32 v1, v3;
	_ =	sdelay $0x1  }
0x5d: {  	s8 =	simm.s32 $0x5080  }
0x5e: {  	[tilespmem:s8], [sflag:$0x1] =	stream.indirect_vreg.gather [hbm4b:s1+s4], $0x80, v4, vm0, $0xb8;
	[tilespmem:$0x10100] =	vst v63  }
0x5f: {  	_ = 	snop  }
0x60: {  	[tilespmem:s9], [sflag:$0x1] =	stream.indirect_vreg.gather [hbm4b:s1+s4], $0x80, v3, vm0, $0xb8;
	[tilespmem:$0x10100] =	vst v63  }
0x61: {  	v3 =	vld [tilespmem:$0x60];
	_ =	sdelay $0x4  }
0x62: {  	v54 =	vshll.u32 v3, $0x1  }
0x63: {  	v3 =	vand.u32 $0x7, v3;
	v4 =	vand.u32 $0xFFFFFFF0, v54  }
0x64: {  	v3 =	vor.u32 v3, v4  }
0x65: {  	v4 =	vperm.xlane v3, v0;
	_ =	sdelay $0x1  }
0x66: {  	v3 =	vperm.xlane v3, v2;
	v4 =	vadd.s32 v1, v4;
	_ =	sdelay $0x1  }
0x67: {  	v3 =	vadd.s32 v1, v3;
	_ =	sdelay $0x2  }
0x68: {  	[tilespmem:s10], [sflag:$0x1] =	stream.indirect_vreg.gather [hbm4b:s1+s4], $0x80, v4, vm0, $0xb8;
	[tilespmem:$0x10100] =	vst v63  }
0x69: {  	_ = 	snop  }
0x6a: {  	[tilespmem:s11], [sflag:$0x1] =	stream.indirect_vreg.gather [hbm4b:s1+s4], $0x80, v3, vm0, $0xb8;
	[tilespmem:$0x10100] =	vst v63  }
0x6b: {  	v3 =	vld [tilespmem:$0x70];
	_ =	sdelay $0x4  }
0x6c: {  	v55 =	vshll.u32 v3, $0x1  }
0x6d: {  	v3 =	vand.u32 $0x7, v3;
	v4 =	vand.u32 $0xFFFFFFF0, v55  }
0x6e: {  	v3 =	vor.u32 v3, v4  }
0x6f: {  	v4 =	vperm.xlane v3, v0;
	_ =	sdelay $0x1  }
0x70: {  	v3 =	vperm.xlane v3, v2;
	v4 =	vadd.s32 v1, v4;
	_ =	sdelay $0x1  }
0x71: {  	v3 =	vadd.s32 v1, v3;
	_ =	sdelay $0x2  }
0x72: {  	[tilespmem:s12], [sflag:$0x1] =	stream.indirect_vreg.gather [hbm4b:s1+s4], $0x80, v4, vm0, $0xb8;
	[tilespmem:$0x10100] =	vst v63  }
0x73: {  	_ = 	snop  }
0x74: {  	[tilespmem:s13], [sflag:$0x1] =	stream.indirect_vreg.gather [hbm4b:s1+s4], $0x80, v3, vm0, $0xb8;
	[tilespmem:$0x10100] =	vst v63  }
0x75: {  	s8 =	rddreg [dreg:$0x6]  }
0x76: {  	[tilespmem:s14], [sflag:$0x2] =	stream.linear.gather [hbm4b:s8+s4], $0x80, $0x38;
	[tilespmem:$0x10100] =	vst v63  }
0x77: {  	_ =	swait.ge [sflag:s6], $0x80  }
0x78: {  	[sflag:s6] =	ssyncset.done $0x0  }
0x79: {  	[sflag:s6] =	ssyncadd.s32 $0xFFFFFF80  }
0x7a: {  	v3 =	vld [tilespmem:$0x8080];
	_ =	sdelay $0x4  }
0x7b: {  	v56 =	vshll.u32 v3, $0x1  }
0x7c: {  	v3 =	vand.u32 $0x7, v3;
	v4 =	vand.u32 $0xFFFFFFF0, v56  }
0x7d: {  	v3 =	vor.u32 v3, v4  }
0x7e: {  	v4 =	vperm.xlane v3, v0;
	_ =	sdelay $0x1  }
0x7f: {  	v3 =	vperm.xlane v3, v2;
	v4 =	vadd.s32 v1, v4;
	_ =	sdelay $0x1  }
0x80: {  	v3 =	vadd.s32 v1, v3;
	_ =	sdelay $0x2  }
0x81: {  	[tilespmem:s15], [sflag:$0x1] =	stream.indirect_vreg.gather [hbm4b:s2+s4], $0x80, v4, vm0, $0xb8;
	[tilespmem:$0x10100] =	vst v63  }
0x82: {  	_ = 	snop  }
0x83: {  	[tilespmem:s16], [sflag:$0x1] =	stream.indirect_vreg.gather [hbm4b:s2+s4], $0x80, v3, vm0, $0xb8;
	[tilespmem:$0x10100] =	vst v63  }
0x84: {  	v3 =	vld [tilespmem:$0x8090];
	_ =	sdelay $0x4  }
0x85: {  	v57 =	vshll.u32 v3, $0x1  }
0x86: {  	v3 =	vand.u32 $0x7, v3;
	v4 =	vand.u32 $0xFFFFFFF0, v57  }
0x87: {  	v3 =	vor.u32 v3, v4  }
0x88: {  	v4 =	vperm.xlane v3, v0;
	_ =	sdelay $0x1  }
0x89: {  	v3 =	vperm.xlane v3, v2;
	v4 =	vadd.s32 v1, v4;
	_ =	sdelay $0x1  }
0x8a: {  	v3 =	vadd.s32 v1, v3;
	_ =	sdelay $0x2  }
0x8b: {  	[tilespmem:s17], [sflag:$0x1] =	stream.indirect_vreg.gather [hbm4b:s2+s4], $0x80, v4, vm0, $0xb8;
	[tilespmem:$0x10100] =	vst v63  }
0x8c: {  	_ = 	snop  }
0x8d: {  	[tilespmem:s18], [sflag:$0x1] =	stream.indirect_vreg.gather [hbm4b:s2+s4], $0x80, v3, vm0, $0xb8;
	[tilespmem:$0x10100] =	vst v63  }
0x8e: {  	v3 =	vld [tilespmem:$0x80A0];
	_ =	sdelay $0x4  }
0x8f: {  	v58 =	vshll.u32 v3, $0x1  }
0x90: {  	v3 =	vand.u32 $0x7, v3;
	v4 =	vand.u32 $0xFFFFFFF0, v58  }
0x91: {  	v3 =	vor.u32 v3, v4  }
0x92: {  	v4 =	vperm.xlane v3, v0;
	_ =	sdelay $0x1  }
0x93: {  	v3 =	vperm.xlane v3, v2;
	v4 =	vadd.s32 v1, v4;
	_ =	sdelay $0x1  }
0x94: {  	v3 =	vadd.s32 v1, v3;
	_ =	sdelay $0x2  }
0x95: {  	[tilespmem:s19], [sflag:$0x1] =	stream.indirect_vreg.gather [hbm4b:s2+s4], $0x80, v4, vm0, $0xb8;
	[tilespmem:$0x10100] =	vst v63  }
0x96: {  	_ = 	snop  }
0x97: {  	[tilespmem:s20], [sflag:$0x1] =	stream.indirect_vreg.gather [hbm4b:s2+s4], $0x80, v3, vm0, $0xb8;
	[tilespmem:$0x10100] =	vst v63  }
0x98: {  	v3 =	vld [tilespmem:$0x80B0];
	_ =	sdelay $0x4  }
0x99: {  	v59 =	vshll.u32 v3, $0x1  }
0x9a: {  	v3 =	vand.u32 $0x7, v3;
	v4 =	vand.u32 $0xFFFFFFF0, v59  }
0x9b: {  	v3 =	vor.u32 v3, v4  }
0x9c: {  	v4 =	vperm.xlane v3, v0;
	_ =	sdelay $0x1  }
0x9d: {  	v3 =	vperm.xlane v3, v2;
	v4 =	vadd.s32 v1, v4;
	_ =	sdelay $0x1  }
0x9e: {  	v3 =	vadd.s32 v1, v3;
	_ =	sdelay $0x2  }
0x9f: {  	[tilespmem:s21], [sflag:$0x1] =	stream.indirect_vreg.gather [hbm4b:s2+s4], $0x80, v4, vm0, $0xb8;
	[tilespmem:$0x10100] =	vst v63  }
0xa0: {  	_ = 	snop  }
0xa1: {  	[tilespmem:s22], [sflag:$0x1] =	stream.indirect_vreg.gather [hbm4b:s2+s4], $0x80, v3, vm0, $0xb8;
	[tilespmem:$0x10100] =	vst v63  }
0xa2: {  	v3 =	vld [tilespmem:$0x80C0];
	_ =	sdelay $0x4  }
0xa3: {  	v60 =	vshll.u32 v3, $0x1  }
0xa4: {  	v3 =	vand.u32 $0x7, v3;
	v4 =	vand.u32 $0xFFFFFFF0, v60  }
0xa5: {  	v3 =	vor.u32 v3, v4  }
0xa6: {  	v4 =	vperm.xlane v3, v0;
	_ =	sdelay $0x1  }
0xa7: {  	v3 =	vperm.xlane v3, v2;
	v4 =	vadd.s32 v1, v4;
	_ =	sdelay $0x1  }
0xa8: {  	v3 =	vadd.s32 v1, v3;
	_ =	sdelay $0x2  }
0xa9: {  	[tilespmem:s23], [sflag:$0x1] =	stream.indirect_vreg.gather [hbm4b:s2+s4], $0x80, v4, vm0, $0xb8;
	[tilespmem:$0x10100] =	vst v63  }
0xaa: {  	_ = 	snop  }
0xab: {  	[tilespmem:s24], [sflag:$0x1] =	stream.indirect_vreg.gather [hbm4b:s2+s4], $0x80, v3, vm0, $0xb8;
	[tilespmem:$0x10100] =	vst v63  }
0xac: {  	v3 =	vld [tilespmem:$0x80D0];
	_ =	sdelay $0x4  }
0xad: {  	v61 =	vshll.u32 v3, $0x1  }
0xae: {  	v3 =	vand.u32 $0x7, v3;
	v4 =	vand.u32 $0xFFFFFFF0, v61  }
0xaf: {  	v3 =	vor.u32 v3, v4  }
0xb0: {  	v4 =	vperm.xlane v3, v0;
	_ =	sdelay $0x1  }
0xb1: {  	v3 =	vperm.xlane v3, v2;
	v4 =	vadd.s32 v1, v4;
	_ =	sdelay $0x1  }
0xb2: {  	v3 =	vadd.s32 v1, v3;
	_ =	sdelay $0x2  }
0xb3: {  	[tilespmem:s25], [sflag:$0x1] =	stream.indirect_vreg.gather [hbm4b:s2+s4], $0x80, v4, vm0, $0xb8;
	[tilespmem:$0x10100] =	vst v63  }
0xb4: {  	_ = 	snop  }
0xb5: {  	[tilespmem:s26], [sflag:$0x1] =	stream.indirect_vreg.gather [hbm4b:s2+s4], $0x80, v3, vm0, $0xb8;
	[tilespmem:$0x10100] =	vst v63  }
0xb6: {  	v3 =	vld [tilespmem:$0x80E0];
	_ =	sdelay $0x4  }
0xb7: {  	v62 =	vshll.u32 v3, $0x1  }
0xb8: {  	v3 =	vand.u32 $0x7, v3;
	v4 =	vand.u32 $0xFFFFFFF0, v62  }
0xb9: {  	v3 =	vor.u32 v3, v4  }
0xba: {  	v4 =	vperm.xlane v3, v0;
	_ =	sdelay $0x1  }
0xbb: {  	v3 =	vperm.xlane v3, v2;
	v4 =	vadd.s32 v1, v4;
	_ =	sdelay $0x1  }
0xbc: {  	v3 =	vadd.s32 v1, v3;
	_ =	sdelay $0x2  }
0xbd: {  	[tilespmem:s28], [sflag:$0x1] =	stream.indirect_vreg.gather [hbm4b:s2+s4], $0x80, v4, vm0, $0xb8;
	[tilespmem:$0x10100] =	vst v63  }
0xbe: {  	_ = 	snop  }
0xbf: {  	[tilespmem:s29], [sflag:$0x1] =	stream.indirect_vreg.gather [hbm4b:s2+s4], $0x80, v3, vm0, $0xb8;
	[tilespmem:$0x10100] =	vst v63  }
0xc0: {  	v3 =	vld [tilespmem:$0x80F0];
	_ =	sdelay $0x4  }
0xc1: {  	v63 =	vshll.u32 v3, $0x1  }
0xc2: {  	v3 =	vand.u32 $0x7, v3;
	v4 =	vand.u32 $0xFFFFFFF0, v63  }
0xc3: {  	v3 =	vor.u32 v3, v4  }
0xc4: {  	v4 =	vperm.xlane v3, v0;
	_ =	sdelay $0x1  }
0xc5: {  	v3 =	vperm.xlane v3, v2;
	v4 =	vadd.s32 v1, v4;
	_ =	sdelay $0x1  }
0xc6: {  	v3 =	vadd.s32 v1, v3;
	_ =	sdelay $0x2  }
0xc7: {  	[tilespmem:s30], [sflag:$0x1] =	stream.indirect_vreg.gather [hbm4b:s2+s4], $0x80, v4, vm0, $0xb8;
	[tilespmem:$0x10100] =	vst v63  }
0xc8: {  	_ = 	snop  }
0xc9: {  	[tilespmem:s31], [sflag:$0x1] =	stream.indirect_vreg.gather [hbm4b:s2+s4], $0x80, v3, vm0, $0xb8;
	[tilespmem:$0x10100] =	vst v63  }
0xca: {  	_ =	swait.ge [sflag:s3], $0x8000  }
0xcb: {  	[sflag:s3] =	ssyncset.done $0x0  }
0xcc: {  	s8 =	rddreg [dreg:$0x7];
	[sflag:s3] =	ssyncadd.s32 $0xFFFF8000  }
0xcd: {  	[hbm4b:s8+s4] =	stream.linear.scatter [tilespmem:s7], [sflag:$0x2], $0x8000, $0x38;
	[tilespmem:$0x10100] =	vst v63  }
0xce: {  	_ =	swait.ge [sflag:s6], $0x8000  }
0xcf: {  	[sflag:s6] =	ssyncset.done $0x0  }
0xd0: {  	[sflag:s6] =	ssyncadd.s32 $0xFFFF8000  }
0xd1: {  	_ =	swait.ge [sflag:s3], $0x8000  }
0xd2: {  	p0 =	sne.s32 s5, $0x1;
	[sflag:s3] =	ssyncset.done $0x0  }
.Ltmp0:
0xd3: {  	s8 =	rddreg [dreg:$0x8];
	[sflag:s3] =	ssyncadd.s32 $0xFFFF8000;
	(pc) =	sbr.rel @p0 .LBB2_1-.Ltmp0, $4  }
0xd4: {  	[hbm4b:s8+s4] =	stream.linear.scatter [tilespmem:s15], [sflag:$0x2], $0x8000, $0x38;
	[tilespmem:$0x10100] =	vst v63  }
0xd5: {  	_ =	swait.ge [sflag:s6], $0x8000  }
0xd6: {  	[sflag:s6] =	ssyncset.done $0x0  }
0xd7: {  	s5 =	sadd.s32 $0xFFFFFFFF, s5;
	[sflag:s6] =	ssyncadd.s32 $0xFFFF8000  }
0xd8: {  	_ =	sfence.sel $0x180000  }
0xd9: {  	[bflag:$0x0] =	sbarrier.arrive $0xFFFF  }
0xda: {  	_ =	strace $0x90000047  }
0xdb: {  	s0 =	stileid.u32;
	[bflag:$0x2] =	sbarrier.arrive $0xFFFF  }
0xdc: {  	p0 =	sne.s32 s0, $0x0;
	s0 =	rddreg [dreg:$0x4]  }
0xdd: {  	s0 =	sadd.s32 @!p0 $0x100000, s0  }
0xde: {  	[sflag:s0] =	ssyncadd.tile.s32 @!p0 $0x1;
	_ =	shalt  }
.Lfunc_end2:
_tile_overlayer_lowered:
.L_overlay_start_2:
0xdf: {  	(tag) =	ssettag $0x2  }
0xe0: {  	s0 =	rddreg [dreg:$0x0];
	s2 =	stileid.u32  }
0xe1: {  	s1 =	rddreg [dreg:$0x1];
	p0 =	sne.s32 s2, $0x0  }
0xe2: {  	s3 =	rddreg [dreg:$0x2];
	[bflag:$0x3] =	sbarrier.arrive $0xFFFF;
	s2 =	simm.s32 @!p0 $0x1C02  }
0xe3: {  	[timem:s3], [sflag:s2] =	dma.local @!p0 [hbm:s0], s1  }
0xe4: {  	s0 =	simm.s32 @!p0 $0x2  }
0xe5: {  	_ =	swait.ge @!p0 [sflag:s0], s1  }
0xe6: {  	s1 =	ssub.s32 @!p0 $0x0, s1;
	[sflag:s0] =	ssyncset.done @!p0 $0x0  }
0xe7: {  	[sflag:s0] =	ssyncadd.s32 @!p0 s1  }
0xe8: {  	[bflag:$0x3] =	sbarrier.arrive $0xFFFF  }
0xe9: {  	_ =	shalt  }

</sc_bundles>
